<compile_context>
chip_gen: v7x
topology: tpu7x:2x2x1
jax: 0.10.2.dev20260603
libtpu: 0.0.44.dev20260713+nightly
codegen_flags: <defaults>
</compile_context>

<pallas_src>
import functools

import jax
import jax.numpy as jnp
from jax import lax
from jax.experimental import pallas as pl
from jax.experimental.pallas import tpu as pltpu
from jax.experimental.pallas import tpu_sc as plsc

_B = 128
_D = 128
_E = 200
_N = 64
_RO = 56


@functools.cache
def _make_sc_gather():
    mesh = plsc.VectorSubcoreMesh(core_axis_name="c", subcore_axis_name="s",
                                  num_cores=1)

    @functools.partial(
        pl.kernel,
        mesh=mesh,
        out_type=jax.ShapeDtypeStruct((_B, _D), jnp.float32),
        scratch_types=[
            pltpu.VMEM((8,), jnp.int32),
            pltpu.VMEM((8, _D), jnp.float32),
            pltpu.SemaphoreType.DMA,
        ],
    )
    def gather_k(table_hbm, ui_hbm, ri_hbm, out_hbm, idx_v, rows_v, sem):
        w = lax.axis_index("s")

        @pl.when(w < 7)
        def _():
            pltpu.sync_copy(ui_hbm.at[pl.ds(jnp.minimum(w * 8, 40), 8)], idx_v)

        @pl.when((w >= 7) & (w < 14))
        def _():
            pltpu.sync_copy(
                ri_hbm.at[pl.ds(jnp.minimum((w - 7) * 8, 40), 8)], idx_v)

        @pl.when(w >= 14)
        def _():
            pltpu.sync_copy(ri_hbm.at[pl.ds(0, 8)], idx_v)

        @pl.when(w == 6)
        def _():
            pltpu.sync_copy(ui_hbm.at[pl.ds(48, 2)], idx_v.at[pl.ds(0, 2)])

        @pl.when(w == 13)
        def _():
            pltpu.sync_copy(ri_hbm.at[pl.ds(48, 2)], idx_v.at[pl.ds(0, 2)])

        pltpu.async_copy(table_hbm.at[idx_v], rows_v, sem).wait()
        pltpu.sync_copy(rows_v, out_hbm.at[pl.ds(w * 8, 8)])

    return gather_k


def _gather_rows(emb, ui, ri):
    return _make_sc_gather()(emb, ui, ri)


def _compute_body(g_ref, uadj_ref, radj_ref,
                  convW_ref, convb_ref, crossw_ref, att_ref, aw_ref,
                  W1_ref, b1_ref, W2_ref, b2_ref,
                  F1_ref, fb1_ref, F2_ref, fb2_ref,
                  out_ref):
    f32 = jnp.float32
    i32 = jnp.int32
    g = g_ref[...]
    u = g[0:_N]
    r = g[_RO:_RO + _N]
    convW = convW_ref[...]
    convb = convb_ref[...]

    ii = lax.broadcasted_iota(i32, (_N, _N), 0)
    jj = lax.broadcasted_iota(i32, (_N, _N), 1)
    eye50 = jnp.where((ii == jj) & (ii < 50), 1.0, 0.0)
    e_iota = lax.broadcasted_iota(i32, (_N, _E), 0)

    def gcn(x, adj):
        rowv = adj[0:1, :]
        colv = adj[1:2, :]
        RT = (e_iota == rowv).astype(f32)
        CT = (e_iota == colv).astype(f32)
        A = lax.dot_general(CT, RT, (((1,), (1,)), ((), ())),
                            preferred_element_type=f32) + eye50
        deg = jnp.sum(A, axis=1, keepdims=True)
        dis = jnp.where(deg > 0, lax.rsqrt(deg), 0.0)
        xw = jnp.dot(x, convW, preferred_element_type=f32)
        return dis * jnp.dot(A, dis * xw, preferred_element_type=f32) + convb

    u_self = gcn(u, uadj_ref[...])[0:50]
    r_self = gcn(r, radj_ref[...])[0:50]

    crossw = crossw_ref[...]
    uw = jnp.dot(u, crossw, preferred_element_type=f32)[0:50]
    rw = jnp.dot(r, crossw, preferred_element_type=f32)[0:50]
    att = att_ref[...]
    u_cross = jnp.dot(att, rw, preferred_element_type=f32)
    r_cross = jnp.dot(att, uw, preferred_element_type=f32)

    aw = aw_ref[...]
    W1 = W1_ref[...]
    W1a = W1[0:1]
    W1b = W1[1:11]
    b1 = b1_ref[...]
    W2 = W2_ref[...]
    b2 = b2_ref[...]

    def mpm(self_f, cross_f):
        a = aw * self_f
        b = aw * cross_f
        dot = jnp.sum(a * b, axis=1, keepdims=True)
        na = jnp.sqrt(jnp.sum(a * a, axis=1, keepdims=True))
        nb = jnp.sqrt(jnp.sum(b * b, axis=1, keepdims=True))
        dist = dot / (jnp.maximum(na, 1e-8) * jnp.maximum(nb, 1e-8))
        h = jnp.dot(self_f, W1b, preferred_element_type=f32) + dist * W1a + b1
        h = jnp.maximum(h, 0.0)
        return jnp.dot(h, W2, preferred_element_type=f32) + b2

    gu = jnp.max(mpm(u_self, u_cross), axis=0, keepdims=True)
    gr = jnp.max(mpm(r_self, r_cross), axis=0, keepdims=True)

    F1 = F1_ref[...]
    feat_h = (jnp.dot(gu, F1[0:20], preferred_element_type=f32)
              + jnp.dot(gr, F1[20:40], preferred_element_type=f32)
              + jnp.dot(gu * gr, F1[40:60], preferred_element_type=f32)
              + jnp.dot(jnp.abs(gu - gr), F1[60:80], preferred_element_type=f32)
              + fb1_ref[...])
    feat_h = jnp.maximum(feat_h, 0.0)
    logits = jnp.dot(feat_h, F2_ref[...], preferred_element_type=f32) + fb2_ref[...]
    out_ref[...] = 1.0 / (1.0 + jnp.exp(-logits))


def kernel(utterance_input, response_input, utterance_graph_adj, response_graph_adj,
           emb, conv_W, conv_b, cross_w, attention_coef, assign_weight,
           mp_W1, mp_b1, mp_W2, mp_b2, ffn_W1, ffn_b1, ffn_W2, ffn_b2):
    ui = utterance_input.astype(jnp.int32)
    ri = response_input.astype(jnp.int32)
    gathered = _gather_rows(emb, ui, ri)

    out = pl.pallas_call(
        _compute_body,
        out_shape=jax.ShapeDtypeStruct((1, 1), jnp.float32),
    )(gathered,
      utterance_graph_adj.astype(jnp.int32), response_graph_adj.astype(jnp.int32),
      conv_W, conv_b, cross_w, attention_coef, assign_weight,
      mp_W1, mp_b1, mp_W2, mp_b2,
      ffn_W1, ffn_b1, ffn_W2, ffn_b2)
    return out.reshape(1)

# --- scband reference (transcript-rebuilt; emitter-appended) ---
"""Pipeline reference for scband-gmn-7189775254164 (READ-ONLY COPY).

The authoritative reference and input builder live on the scoring server;
editing this copy changes nothing except your own understanding.
"""

import jax, jax.numpy as jnp
import numpy as np

VOCAB_SIZE = 21128
MAX_SEQ_LEN = 50
EMB = 128
GCN_OUT = 10
N_EDGES = 200


def setup_inputs(seed: int = 0) -> dict:
    key = jax.random.key(seed)
    ks = jax.random.split(key, 24)
    inp = {}
    inp['utterance_input'] = jax.random.randint(ks[0], (MAX_SEQ_LEN,), 0, VOCAB_SIZE, dtype=jnp.int64 if jax.config.jax_enable_x64 else jnp.int32)
    inp['response_input'] = jax.random.randint(ks[1], (MAX_SEQ_LEN,), 0, VOCAB_SIZE, dtype=jnp.int64 if jax.config.jax_enable_x64 else jnp.int32)
    inp['utterance_graph_adj'] = jax.random.randint(ks[2], (2, N_EDGES), 0, MAX_SEQ_LEN)
    inp['response_graph_adj'] = jax.random.randint(ks[3], (2, N_EDGES), 0, MAX_SEQ_LEN)
    # learned parameters
    inp['emb'] = jax.random.normal(ks[4], (VOCAB_SIZE, EMB), dtype=jnp.float32)
    inp['conv_W'] = jax.random.normal(ks[5], (EMB, GCN_OUT), dtype=jnp.float32) * 0.05
    inp['conv_b'] = jnp.zeros((GCN_OUT,), dtype=jnp.float32)
    inp['cross_w'] = jax.random.uniform(ks[6], (EMB, GCN_OUT), dtype=jnp.float32)
    inp['attention_coef'] = jax.random.uniform(ks[7], (MAX_SEQ_LEN, MAX_SEQ_LEN), dtype=jnp.float32)
    inp['assign_weight'] = jax.random.uniform(ks[8], (MAX_SEQ_LEN, GCN_OUT), dtype=jnp.float32)
    inp['mp_W1'] = jax.random.normal(ks[9], (GCN_OUT + 1, 20), dtype=jnp.float32) * 0.1
    inp['mp_b1'] = jnp.zeros((20,), dtype=jnp.float32)
    inp['mp_W2'] = jax.random.normal(ks[10], (20, 20), dtype=jnp.float32) * 0.1
    inp['mp_b2'] = jnp.zeros((20,), dtype=jnp.float32)
    inp['ffn_W1'] = jax.random.normal(ks[11], (4 * 20, 40), dtype=jnp.float32) * 0.1
    inp['ffn_b1'] = jnp.zeros((40,), dtype=jnp.float32)
    inp['ffn_W2'] = jax.random.normal(ks[12], (40, 1), dtype=jnp.float32) * 0.1
    inp['ffn_b2'] = jnp.zeros((1,), dtype=jnp.float32)
    return inp


def _gcn_conv(x, edge_index, W, b):
    # PyG GCNConv: add self loops, sym-normalize, aggregate src->dst, then bias
    N = x.shape[0]
    loop = jnp.arange(N)
    row = jnp.concatenate([edge_index[0], loop])
    col = jnp.concatenate([edge_index[1], loop])
    ew = jnp.ones(row.shape[0], dtype=x.dtype)
    deg = jax.ops.segment_sum(ew, col, num_segments=N)
    dis = jnp.where(deg > 0, 1.0 / jnp.sqrt(deg), 0.0)
    norm = dis[row] * dis[col]
    xw = x @ W
    msg = jnp.take(xw, row, axis=0) * norm[:, None]
    out = jax.ops.segment_sum(msg, col, num_segments=N)
    return out + b


def _cosine_sim(a, b, eps=1e-8):
    dot = jnp.sum(a * b, axis=1)
    na = jnp.sqrt(jnp.sum(a * a, axis=1))
    nb = jnp.sqrt(jnp.sum(b * b, axis=1))
    return dot / (jnp.maximum(na, eps) * jnp.maximum(nb, eps))


def _mpm(self_f, cross_f, assign_weight, W1, b1, W2, b2):
    dist = _cosine_sim(assign_weight * self_f, assign_weight * cross_f)
    h = jnp.concatenate([dist.reshape(-1, 1), self_f], axis=-1)
    h = jax.nn.relu(h @ W1 + b1) @ W2 + b2
    return h


def reference(utterance_input, response_input, utterance_graph_adj, response_graph_adj,
              emb, conv_W, conv_b, cross_w, attention_coef, assign_weight,
              mp_W1, mp_b1, mp_W2, mp_b2, ffn_W1, ffn_b1, ffn_W2, ffn_b2):
    u_emb = jnp.take(emb, utterance_input, axis=0)
    r_emb = jnp.take(emb, response_input, axis=0)
    # self_forward
    u_self = _gcn_conv(u_emb, utterance_graph_adj, conv_W, conv_b)
    r_self = _gcn_conv(r_emb, response_graph_adj, conv_W, conv_b)
    # cross_forward
    u_cross = attention_coef @ (r_emb @ cross_w)
    r_cross = attention_coef @ (u_emb @ cross_w)
    # matching
    u_match = _mpm(u_self, u_cross, assign_weight, mp_W1, mp_b1, mp_W2, mp_b2)
    r_match = _mpm(r_self, r_cross, assign_weight, mp_W1, mp_b1, mp_W2, mp_b2)
    g_u = jnp.max(u_match, axis=0)
    g_r = jnp.max(r_match, axis=0)
    feat = jnp.concatenate([g_u, g_r, g_u * g_r, jnp.abs(g_u - g_r)], axis=-1)
    logits = jax.nn.relu(feat @ ffn_W1 + ffn_b1) @ ffn_W2 + ffn_b2
    return jax.nn.sigmoid(logits)

if __name__ == "__main__":
    import jax
    _d = setup_inputs()
    print(jax.jit(kernel)(*tuple(_d.values())))

</pallas_src>

<mosaic_0001>
#map = affine_map<(d0, d1) -> (0, 0)>
#map1 = affine_map<(d0, d1) -> (0)>
module attributes {stable_mosaic.version = 14 : i64} {
  func.func @gather_k(%arg0: i32, %arg1: i32, %arg2: memref<21128x128xf32, #tpu.memory_space<hbm>>, %arg3: memref<50xi32, #tpu.memory_space<hbm>>, %arg4: memref<50xi32, #tpu.memory_space<hbm>>, %arg5: memref<128x128xf32, #tpu.memory_space<hbm>>, %arg6: memref<8xi32, #tpu.memory_space<vmem>>, %arg7: memref<8x128xf32, #tpu.memory_space<vmem>>, %arg8: memref<!tpu.dma_semaphore, #tpu.memory_space<semaphore_mem>>) attributes {dimension_semantics = [#tpu.dimension_semantics<core_parallel>, #tpu.dimension_semantics<subcore_parallel>], iteration_bounds = array<i64: 1, 16>, scalar_prefetch = 0 : i64, scratch_operands = 3 : i64, tpu.core_type = #tpu.core_type<sc_vector_subcore>, window_params = [{transform_indices = #map}, {transform_indices = #map1}, {transform_indices = #map1}, {transform_indices = #map}]} {
    %lt3A = arith.constant 7 : i32
    %lt3A_0 = arith.cmpi slt, %arg1, %lt3A : i32
    %convert_element_type3A = arith.extui %lt3A_0 : i1 to i32
    %cond3A = arith.constant 0 : i32
    %cond3A_1 = arith.cmpi ne, %convert_element_type3A, %cond3A : i32
    scf.if %cond3A_1 {
      %mul3A_27 = arith.constant 8 : i32
      %mul3A_28 = arith.muli %arg1, %mul3A_27 : i32
      %min3A = arith.constant 40 : i32
      %min3A_29 = arith.minsi %mul3A_28, %min3A : i32
      "tpu.region"() ({
        %run_scoped3A = tpu.sem_alloc : memref<!tpu.dma_semaphore, #tpu.memory_space<semaphore_mem>>
        %dma_start3A_30 = tpu.memref_slice %arg3[%min3A_29] : memref<50xi32, #tpu.memory_space<hbm>> -> memref<8xi32, #tpu.memory_space<hbm>>
        %dma_start3A_31 = tpu.memref_slice %arg3[%min3A_29] : memref<50xi32, #tpu.memory_space<hbm>> -> memref<8xi32, #tpu.memory_space<hbm>>
        tpu.enqueue_dma source(%dma_start3A_31 : memref<8xi32, #tpu.memory_space<hbm>>) target(%arg6 : memref<8xi32, #tpu.memory_space<vmem>>) target_semaphore(%run_scoped3A : memref<!tpu.dma_semaphore, #tpu.memory_space<semaphore_mem>>)
        %dma_wait3A_32 = tpu.memref_slice %arg3[%min3A_29] : memref<50xi32, #tpu.memory_space<hbm>> -> memref<8xi32, #tpu.memory_space<hbm>>
        %dma_wait3A_33 = tpu.memref_slice %arg3[%min3A_29] : memref<50xi32, #tpu.memory_space<hbm>> -> memref<8xi32, #tpu.memory_space<hbm>>
        tpu.wait_dma2 semaphore(%run_scoped3A : memref<!tpu.dma_semaphore, #tpu.memory_space<semaphore_mem>>) src(%dma_wait3A_33 : memref<8xi32, #tpu.memory_space<hbm>>) dst(%arg6 : memref<8xi32, #tpu.memory_space<vmem>>)
        tpu.yield
      }) : () -> ()
    } else {
    }
    %ge3A = arith.constant 7 : i32
    %ge3A_2 = arith.cmpi sge, %arg1, %ge3A : i32
    %lt3A_3 = arith.constant 14 : i32
    %lt3A_4 = arith.cmpi slt, %arg1, %lt3A_3 : i32
    %and3A = arith.andi %ge3A_2, %lt3A_4 : i1
    %convert_element_type3A_5 = arith.extui %and3A : i1 to i32
    %cond3A_6 = arith.constant 0 : i32
    %cond3A_7 = arith.cmpi ne, %convert_element_type3A_5, %cond3A_6 : i32
    scf.if %cond3A_7 {
      %sub3A = arith.constant 7 : i32
      %sub3A_27 = arith.subi %arg1, %sub3A : i32
      %mul3A_28 = arith.constant 8 : i32
      %mul3A_29 = arith.muli %sub3A_27, %mul3A_28 : i32
      %min3A = arith.constant 40 : i32
      %min3A_30 = arith.minsi %mul3A_29, %min3A : i32
      "tpu.region"() ({
        %run_scoped3A = tpu.sem_alloc : memref<!tpu.dma_semaphore, #tpu.memory_space<semaphore_mem>>
        %dma_start3A_31 = tpu.memref_slice %arg4[%min3A_30] : memref<50xi32, #tpu.memory_space<hbm>> -> memref<8xi32, #tpu.memory_space<hbm>>
        %dma_start3A_32 = tpu.memref_slice %arg4[%min3A_30] : memref<50xi32, #tpu.memory_space<hbm>> -> memref<8xi32, #tpu.memory_space<hbm>>
        tpu.enqueue_dma source(%dma_start3A_32 : memref<8xi32, #tpu.memory_space<hbm>>) target(%arg6 : memref<8xi32, #tpu.memory_space<vmem>>) target_semaphore(%run_scoped3A : memref<!tpu.dma_semaphore, #tpu.memory_space<semaphore_mem>>)
        %dma_wait3A_33 = tpu.memref_slice %arg4[%min3A_30] : memref<50xi32, #tpu.memory_space<hbm>> -> memref<8xi32, #tpu.memory_space<hbm>>
        %dma_wait3A_34 = tpu.memref_slice %arg4[%min3A_30] : memref<50xi32, #tpu.memory_space<hbm>> -> memref<8xi32, #tpu.memory_space<hbm>>
        tpu.wait_dma2 semaphore(%run_scoped3A : memref<!tpu.dma_semaphore, #tpu.memory_space<semaphore_mem>>) src(%dma_wait3A_34 : memref<8xi32, #tpu.memory_space<hbm>>) dst(%arg6 : memref<8xi32, #tpu.memory_space<vmem>>)
        tpu.yield
      }) : () -> ()
    } else {
    }
    %ge3A_8 = arith.constant 14 : i32
    %ge3A_9 = arith.cmpi sge, %arg1, %ge3A_8 : i32
    %convert_element_type3A_10 = arith.extui %ge3A_9 : i1 to i32
    %cond3A_11 = arith.constant 0 : i32
    %cond3A_12 = arith.cmpi ne, %convert_element_type3A_10, %cond3A_11 : i32
    scf.if %cond3A_12 {
      "tpu.region"() ({
        %run_scoped3A = tpu.sem_alloc : memref<!tpu.dma_semaphore, #tpu.memory_space<semaphore_mem>>
        %dma_start3A_27 = arith.constant 0 : i32
        %dma_start3A_28 = tpu.memref_slice %arg4[%dma_start3A_27] : memref<50xi32, #tpu.memory_space<hbm>> -> memref<8xi32, #tpu.memory_space<hbm>>
        %dma_start3A_29 = arith.constant 0 : i32
        %dma_start3A_30 = tpu.memref_slice %arg4[%dma_start3A_29] : memref<50xi32, #tpu.memory_space<hbm>> -> memref<8xi32, #tpu.memory_space<hbm>>
        tpu.enqueue_dma source(%dma_start3A_30 : memref<8xi32, #tpu.memory_space<hbm>>) target(%arg6 : memref<8xi32, #tpu.memory_space<vmem>>) target_semaphore(%run_scoped3A : memref<!tpu.dma_semaphore, #tpu.memory_space<semaphore_mem>>)
        %dma_wait3A_31 = arith.constant 0 : i32
        %dma_wait3A_32 = tpu.memref_slice %arg4[%dma_wait3A_31] : memref<50xi32, #tpu.memory_space<hbm>> -> memref<8xi32, #tpu.memory_space<hbm>>
        %dma_wait3A_33 = arith.constant 0 : i32
        %dma_wait3A_34 = tpu.memref_slice %arg4[%dma_wait3A_33] : memref<50xi32, #tpu.memory_space<hbm>> -> memref<8xi32, #tpu.memory_space<hbm>>
        tpu.wait_dma2 semaphore(%run_scoped3A : memref<!tpu.dma_semaphore, #tpu.memory_space<semaphore_mem>>) src(%dma_wait3A_34 : memref<8xi32, #tpu.memory_space<hbm>>) dst(%arg6 : memref<8xi32, #tpu.memory_space<vmem>>)
        tpu.yield
      }) : () -> ()
    } else {
    }
    %eq3A = arith.constant 6 : i32
    %eq3A_13 = arith.cmpi eq, %arg1, %eq3A : i32
    %convert_element_type3A_14 = arith.extui %eq3A_13 : i1 to i32
    %cond3A_15 = arith.constant 0 : i32
    %cond3A_16 = arith.cmpi ne, %convert_element_type3A_14, %cond3A_15 : i32
    scf.if %cond3A_16 {
      "tpu.region"() ({
        %run_scoped3A = tpu.sem_alloc : memref<!tpu.dma_semaphore, #tpu.memory_space<semaphore_mem>>
        %dma_start3A_27 = arith.constant 0 : i32
        %dma_start3A_28 = tpu.memref_slice %arg6[%dma_start3A_27] : memref<8xi32, #tpu.memory_space<vmem>> -> memref<2xi32, #tpu.memory_space<vmem>>
        %dma_start3A_29 = arith.constant 48 : i32
        %dma_start3A_30 = tpu.memref_slice %arg3[%dma_start3A_29] : memref<50xi32, #tpu.memory_space<hbm>> -> memref<2xi32, #tpu.memory_space<hbm>>
        %dma_start3A_31 = arith.constant 0 : i32
        %dma_start3A_32 = tpu.memref_slice %arg6[%dma_start3A_31] : memref<8xi32, #tpu.memory_space<vmem>> -> memref<2xi32, #tpu.memory_space<vmem>>
        %dma_start3A_33 = arith.constant 48 : i32
        %dma_start3A_34 = tpu.memref_slice %arg3[%dma_start3A_33] : memref<50xi32, #tpu.memory_space<hbm>> -> memref<2xi32, #tpu.memory_space<hbm>>
        tpu.enqueue_dma source(%dma_start3A_34 : memref<2xi32, #tpu.memory_space<hbm>>) target(%dma_start3A_32 : memref<2xi32, #tpu.memory_space<vmem>>) target_semaphore(%run_scoped3A : memref<!tpu.dma_semaphore, #tpu.memory_space<semaphore_mem>>)
        %dma_wait3A_35 = arith.constant 0 : i32
        %dma_wait3A_36 = tpu.memref_slice %arg6[%dma_wait3A_35] : memref<8xi32, #tpu.memory_space<vmem>> -> memref<2xi32, #tpu.memory_space<vmem>>
        %dma_wait3A_37 = arith.constant 48 : i32
        %dma_wait3A_38 = tpu.memref_slice %arg3[%dma_wait3A_37] : memref<50xi32, #tpu.memory_space<hbm>> -> memref<2xi32, #tpu.memory_space<hbm>>
        %dma_wait3A_39 = arith.constant 0 : i32
        %dma_wait3A_40 = tpu.memref_slice %arg6[%dma_wait3A_39] : memref<8xi32, #tpu.memory_space<vmem>> -> memref<2xi32, #tpu.memory_space<vmem>>
        %dma_wait3A_41 = arith.constant 48 : i32
        %dma_wait3A_42 = tpu.memref_slice %arg3[%dma_wait3A_41] : memref<50xi32, #tpu.memory_space<hbm>> -> memref<2xi32, #tpu.memory_space<hbm>>
        tpu.wait_dma2 semaphore(%run_scoped3A : memref<!tpu.dma_semaphore, #tpu.memory_space<semaphore_mem>>) src(%dma_wait3A_42 : memref<2xi32, #tpu.memory_space<hbm>>) dst(%dma_wait3A_40 : memref<2xi32, #tpu.memory_space<vmem>>)
        tpu.yield
      }) : () -> ()
    } else {
    }
    %eq3A_17 = arith.constant 13 : i32
    %eq3A_18 = arith.cmpi eq, %arg1, %eq3A_17 : i32
    %convert_element_type3A_19 = arith.extui %eq3A_18 : i1 to i32
    %cond3A_20 = arith.constant 0 : i32
    %cond3A_21 = arith.cmpi ne, %convert_element_type3A_19, %cond3A_20 : i32
    scf.if %cond3A_21 {
      "tpu.region"() ({
        %run_scoped3A = tpu.sem_alloc : memref<!tpu.dma_semaphore, #tpu.memory_space<semaphore_mem>>
        %dma_start3A_27 = arith.constant 0 : i32
        %dma_start3A_28 = tpu.memref_slice %arg6[%dma_start3A_27] : memref<8xi32, #tpu.memory_space<vmem>> -> memref<2xi32, #tpu.memory_space<vmem>>
        %dma_start3A_29 = arith.constant 48 : i32
        %dma_start3A_30 = tpu.memref_slice %arg4[%dma_start3A_29] : memref<50xi32, #tpu.memory_space<hbm>> -> memref<2xi32, #tpu.memory_space<hbm>>
        %dma_start3A_31 = arith.constant 0 : i32
        %dma_start3A_32 = tpu.memref_slice %arg6[%dma_start3A_31] : memref<8xi32, #tpu.memory_space<vmem>> -> memref<2xi32, #tpu.memory_space<vmem>>
        %dma_start3A_33 = arith.constant 48 : i32
        %dma_start3A_34 = tpu.memref_slice %arg4[%dma_start3A_33] : memref<50xi32, #tpu.memory_space<hbm>> -> memref<2xi32, #tpu.memory_space<hbm>>
        tpu.enqueue_dma source(%dma_start3A_34 : memref<2xi32, #tpu.memory_space<hbm>>) target(%dma_start3A_32 : memref<2xi32, #tpu.memory_space<vmem>>) target_semaphore(%run_scoped3A : memref<!tpu.dma_semaphore, #tpu.memory_space<semaphore_mem>>)
        %dma_wait3A_35 = arith.constant 0 : i32
        %dma_wait3A_36 = tpu.memref_slice %arg6[%dma_wait3A_35] : memref<8xi32, #tpu.memory_space<vmem>> -> memref<2xi32, #tpu.memory_space<vmem>>
        %dma_wait3A_37 = arith.constant 48 : i32
        %dma_wait3A_38 = tpu.memref_slice %arg4[%dma_wait3A_37] : memref<50xi32, #tpu.memory_space<hbm>> -> memref<2xi32, #tpu.memory_space<hbm>>
        %dma_wait3A_39 = arith.constant 0 : i32
        %dma_wait3A_40 = tpu.memref_slice %arg6[%dma_wait3A_39] : memref<8xi32, #tpu.memory_space<vmem>> -> memref<2xi32, #tpu.memory_space<vmem>>
        %dma_wait3A_41 = arith.constant 48 : i32
        %dma_wait3A_42 = tpu.memref_slice %arg4[%dma_wait3A_41] : memref<50xi32, #tpu.memory_space<hbm>> -> memref<2xi32, #tpu.memory_space<hbm>>
        tpu.wait_dma2 semaphore(%run_scoped3A : memref<!tpu.dma_semaphore, #tpu.memory_space<semaphore_mem>>) src(%dma_wait3A_42 : memref<2xi32, #tpu.memory_space<hbm>>) dst(%dma_wait3A_40 : memref<2xi32, #tpu.memory_space<vmem>>)
        tpu.yield
      }) : () -> ()
    } else {
    }
    %dma_start3A = arith.constant 0 : i32
    %dma_start3A_22 = arith.constant 0 : i32
    %dma_start3A_23 = tpu.memref_slice %arg2[%dma_start3A, %dma_start3A_22] : memref<21128x128xf32, #tpu.memory_space<hbm>> -> memref<21128x128xf32, #tpu.memory_space<hbm>>
    tpu.enqueue_indirect_dma source(%dma_start3A_23 : memref<21128x128xf32, #tpu.memory_space<hbm>>) target(%arg7 : memref<8x128xf32, #tpu.memory_space<vmem>>) offsets(%arg6 : memref<8xi32, #tpu.memory_space<vmem>>) semaphore(%arg8 : memref<!tpu.dma_semaphore, #tpu.memory_space<semaphore_mem>>)
    %dma_wait3A = arith.constant 0 : i32
    %dma_wait3A_24 = arith.constant 0 : i32
    %dma_wait3A_25 = tpu.memref_slice %arg2[%dma_wait3A, %dma_wait3A_24] : memref<21128x128xf32, #tpu.memory_space<hbm>> -> memref<21128x128xf32, #tpu.memory_space<hbm>>
    tpu.wait_indirect_dma semaphore(%arg8 : memref<!tpu.dma_semaphore, #tpu.memory_space<semaphore_mem>>) src(%dma_wait3A_25 : memref<21128x128xf32, #tpu.memory_space<hbm>>) dst(%arg7 : memref<8x128xf32, #tpu.memory_space<vmem>>)
    %mul3A = arith.constant 8 : i32
    %mul3A_26 = arith.muli %arg1, %mul3A : i32
    "tpu.region"() ({
      %run_scoped3A = tpu.sem_alloc : memref<!tpu.dma_semaphore, #tpu.memory_space<semaphore_mem>>
      %dma_start3A_27 = arith.constant 0 : i32
      %dma_start3A_28 = tpu.memref_slice %arg5[%mul3A_26, %dma_start3A_27] : memref<128x128xf32, #tpu.memory_space<hbm>> -> memref<8x128xf32, #tpu.memory_space<hbm>>
      %dma_start3A_29 = arith.constant 0 : i32
      %dma_start3A_30 = tpu.memref_slice %arg5[%mul3A_26, %dma_start3A_29] : memref<128x128xf32, #tpu.memory_space<hbm>> -> memref<8x128xf32, #tpu.memory_space<hbm>>
      tpu.enqueue_dma source(%arg7 : memref<8x128xf32, #tpu.memory_space<vmem>>) target(%dma_start3A_30 : memref<8x128xf32, #tpu.memory_space<hbm>>) target_semaphore(%run_scoped3A : memref<!tpu.dma_semaphore, #tpu.memory_space<semaphore_mem>>)
      %dma_wait3A_31 = arith.constant 0 : i32
      %dma_wait3A_32 = tpu.memref_slice %arg5[%mul3A_26, %dma_wait3A_31] : memref<128x128xf32, #tpu.memory_space<hbm>> -> memref<8x128xf32, #tpu.memory_space<hbm>>
      %dma_wait3A_33 = arith.constant 0 : i32
      %dma_wait3A_34 = tpu.memref_slice %arg5[%mul3A_26, %dma_wait3A_33] : memref<128x128xf32, #tpu.memory_space<hbm>> -> memref<8x128xf32, #tpu.memory_space<hbm>>
      tpu.wait_dma2 semaphore(%run_scoped3A : memref<!tpu.dma_semaphore, #tpu.memory_space<semaphore_mem>>) src(%arg7 : memref<8x128xf32, #tpu.memory_space<vmem>>) dst(%dma_wait3A_34 : memref<8x128xf32, #tpu.memory_space<hbm>>)
      tpu.yield
    }) : () -> ()
    return
  }
}

module attributes {stable_mosaic.version = 14 : i64} {
  func.func @_compute_body(%arg0: memref<128x128xf32, #tpu.memory_space<vmem>>, %arg1: memref<2x200xi32, #tpu.memory_space<vmem>>, %arg2: memref<2x200xi32, #tpu.memory_space<vmem>>, %arg3: memref<128x10xf32, #tpu.memory_space<vmem>>, %arg4: memref<10xf32, #tpu.memory_space<vmem>>, %arg5: memref<128x10xf32, #tpu.memory_space<vmem>>, %arg6: memref<50x50xf32, #tpu.memory_space<vmem>>, %arg7: memref<50x10xf32, #tpu.memory_space<vmem>>, %arg8: memref<11x20xf32, #tpu.memory_space<vmem>>, %arg9: memref<20xf32, #tpu.memory_space<vmem>>, %arg10: memref<20x20xf32, #tpu.memory_space<vmem>>, %arg11: memref<20xf32, #tpu.memory_space<vmem>>, %arg12: memref<80x40xf32, #tpu.memory_space<vmem>>, %arg13: memref<40xf32, #tpu.memory_space<vmem>>, %arg14: memref<40x1xf32, #tpu.memory_space<vmem>>, %arg15: memref<1xf32, #tpu.memory_space<vmem>>, %arg16: memref<1x1xf32, #tpu.memory_space<vmem>>) attributes {dimension_semantics = [], scalar_prefetch = 0 : i64, scratch_operands = 0 : i64, tpu.core_type = #tpu.core_type<tc>} {
    %get3A = arith.constant 0 : index
    %get3A_0 = arith.constant 0 : index
    %get3A_1 = vector.load %arg0[%get3A, %get3A_0] : memref<128x128xf32, #tpu.memory_space<vmem>>, vector<128x128xf32>
    %slice3A = vector.extract_strided_slice %get3A_1 {offsets = [0, 0], sizes = [64, 128], strides = [1, 1]} : vector<128x128xf32> to vector<64x128xf32>
    %slice3A_2 = vector.extract_strided_slice %get3A_1 {offsets = [56, 0], sizes = [64, 128], strides = [1, 1]} : vector<128x128xf32> to vector<64x128xf32>
    %get3A_3 = arith.constant 0 : index
    %get3A_4 = arith.constant 0 : index
    %get3A_5 = vector.load %arg3[%get3A_3, %get3A_4] : memref<128x10xf32, #tpu.memory_space<vmem>>, vector<128x10xf32>
    %get3A_6 = arith.constant 0 : index
    %get3A_7 = vector.load %arg4[%get3A_6] : memref<10xf32, #tpu.memory_space<vmem>>, vector<10xf32>
    %iota3A = tpu.iota {dimensions = array<i32: 0>} : vector<64x64xi32>
    %iota3A_8 = tpu.iota {dimensions = array<i32: 1>} : vector<64x64xi32>
    %eq3A = arith.cmpi eq, %iota3A, %iota3A_8 : vector<64x64xi32>
    %lt3A = arith.constant 50 : i32
    %lt3A_9 = vector.broadcast %lt3A : i32 to vector<64x64xi32>
    %lt3A_10 = arith.cmpi slt, %iota3A, %lt3A_9 : vector<64x64xi32>
    %and3A = arith.andi %eq3A, %lt3A_10 : vector<64x64xi1>
    %jit3A = arith.constant 1.000000e+00 : f32
    %jit3A_11 = arith.constant 0.000000e+00 : f32
    %broadcast_in_dim3A = vector.broadcast %jit3A : f32 to vector<64x64xf32>
    %broadcast_in_dim3A_12 = vector.broadcast %jit3A_11 : f32 to vector<64x64xf32>
    %select_n3A = arith.select %and3A, %broadcast_in_dim3A, %broadcast_in_dim3A_12 : vector<64x64xi1>, vector<64x64xf32>
    %iota3A_13 = tpu.iota {dimensions = array<i32: 0>} : vector<64x200xi32>
    %get3A_14 = arith.constant 0 : index
    %get3A_15 = arith.constant 0 : index
    %get3A_16 = vector.load %arg1[%get3A_14, %get3A_15] : memref<2x200xi32, #tpu.memory_space<vmem>>, vector<2x200xi32>
    %slice3A_17 = vector.extract_strided_slice %get3A_16 {offsets = [0, 0], sizes = [1, 200], strides = [1, 1]} : vector<2x200xi32> to vector<1x200xi32>
    %slice3A_18 = vector.extract_strided_slice %get3A_16 {offsets = [1, 0], sizes = [1, 200], strides = [1, 1]} : vector<2x200xi32> to vector<1x200xi32>
    %eq3A_19 = vector.broadcast %slice3A_17 : vector<1x200xi32> to vector<64x200xi32>
    %eq3A_20 = arith.cmpi eq, %iota3A_13, %eq3A_19 : vector<64x200xi32>
    %convert_element_type3A = arith.extui %eq3A_20 : vector<64x200xi1> to vector<64x200xi32>
    %convert_element_type3A_21 = arith.sitofp %convert_element_type3A : vector<64x200xi32> to vector<64x200xf32>
    %eq3A_22 = vector.broadcast %slice3A_18 : vector<1x200xi32> to vector<64x200xi32>
    %eq3A_23 = arith.cmpi eq, %iota3A_13, %eq3A_22 : vector<64x200xi32>
    %convert_element_type3A_24 = arith.extui %eq3A_23 : vector<64x200xi1> to vector<64x200xi32>
    %convert_element_type3A_25 = arith.sitofp %convert_element_type3A_24 : vector<64x200xi32> to vector<64x200xf32>
    %dot_general3A = arith.constant dense<0.000000e+00> : vector<64x64xf32>
    %dot_general3A_26 = tpu.matmul %convert_element_type3A_25, %convert_element_type3A_21, %dot_general3A {dimension_numbers = #tpu.dot_dimension_numbers<[1], [1], [0], [0], [0, 0, 1, 0], [], []>, transpose_lhs_hint = false} : vector<64x200xf32>, vector<64x200xf32>, vector<64x64xf32> -> vector<64x64xf32>
    %add3A = arith.addf %dot_general3A_26, %select_n3A : vector<64x64xf32>
    %reduce_sum3A = arith.constant dense<0.000000e+00> : vector<64xf32>
    %reduce_sum3A_27 = vector.multi_reduction <add>, %add3A, %reduce_sum3A [1] : vector<64x64xf32> to vector<64xf32>
    %broadcast_in_dim3A_28 = vector.shape_cast %reduce_sum3A_27 : vector<64xf32> to vector<64x1xf32>
    %gt3A = arith.constant 0.000000e+00 : f32
    %gt3A_29 = vector.broadcast %gt3A : f32 to vector<64x1xf32>
    %gt3A_30 = arith.cmpf ogt, %broadcast_in_dim3A_28, %gt3A_29 : vector<64x1xf32>
    %rsqrt3A = math.rsqrt %broadcast_in_dim3A_28 : vector<64x1xf32>
    %jit3A_31 = arith.constant 0.000000e+00 : f32
    %broadcast_in_dim3A_32 = vector.broadcast %jit3A_31 : f32 to vector<64x1xf32>
    %select_n3A_33 = arith.select %gt3A_30, %rsqrt3A, %broadcast_in_dim3A_32 : vector<64x1xi1>, vector<64x1xf32>
    %dot_general3A_34 = arith.constant dense<0.000000e+00> : vector<64x10xf32>
    %dot_general3A_35 = tpu.matmul %slice3A, %get3A_5, %dot_general3A_34 {dimension_numbers = #tpu.dot_dimension_numbers<[1], [0], [0], [1], [0, 0, 1, 1], [], []>, transpose_lhs_hint = false} : vector<64x128xf32>, vector<128x10xf32>, vector<64x10xf32> -> vector<64x10xf32>
    %mul3A = vector.broadcast %select_n3A_33 : vector<64x1xf32> to vector<64x10xf32>
    %mul3A_36 = arith.mulf %mul3A, %dot_general3A_35 : vector<64x10xf32>
    %dot_general3A_37 = arith.constant dense<0.000000e+00> : vector<64x10xf32>
    %dot_general3A_38 = tpu.matmul %add3A, %mul3A_36, %dot_general3A_37 {dimension_numbers = #tpu.dot_dimension_numbers<[1], [0], [0], [1], [0, 0, 1, 1], [], []>, transpose_lhs_hint = false} : vector<64x64xf32>, vector<64x10xf32>, vector<64x10xf32> -> vector<64x10xf32>
    %mul3A_39 = vector.broadcast %select_n3A_33 : vector<64x1xf32> to vector<64x10xf32>
    %mul3A_40 = arith.mulf %mul3A_39, %dot_general3A_38 : vector<64x10xf32>
    %broadcast_in_dim3A_41 = vector.shape_cast %get3A_7 : vector<10xf32> to vector<1x10xf32>
    %add3A_42 = vector.broadcast %broadcast_in_dim3A_41 : vector<1x10xf32> to vector<64x10xf32>
    %add3A_43 = arith.addf %mul3A_40, %add3A_42 : vector<64x10xf32>
    %slice3A_44 = vector.extract_strided_slice %add3A_43 {offsets = [0, 0], sizes = [50, 10], strides = [1, 1]} : vector<64x10xf32> to vector<50x10xf32>
    %get3A_45 = arith.constant 0 : index
    %get3A_46 = arith.constant 0 : index
    %get3A_47 = vector.load %arg2[%get3A_45, %get3A_46] : memref<2x200xi32, #tpu.memory_space<vmem>>, vector<2x200xi32>
    %slice3A_48 = vector.extract_strided_slice %get3A_47 {offsets = [0, 0], sizes = [1, 200], strides = [1, 1]} : vector<2x200xi32> to vector<1x200xi32>
    %slice3A_49 = vector.extract_strided_slice %get3A_47 {offsets = [1, 0], sizes = [1, 200], strides = [1, 1]} : vector<2x200xi32> to vector<1x200xi32>
    %eq3A_50 = vector.broadcast %slice3A_48 : vector<1x200xi32> to vector<64x200xi32>
    %eq3A_51 = arith.cmpi eq, %iota3A_13, %eq3A_50 : vector<64x200xi32>
    %convert_element_type3A_52 = arith.extui %eq3A_51 : vector<64x200xi1> to vector<64x200xi32>
    %convert_element_type3A_53 = arith.sitofp %convert_element_type3A_52 : vector<64x200xi32> to vector<64x200xf32>
    %eq3A_54 = vector.broadcast %slice3A_49 : vector<1x200xi32> to vector<64x200xi32>
    %eq3A_55 = arith.cmpi eq, %iota3A_13, %eq3A_54 : vector<64x200xi32>
    %convert_element_type3A_56 = arith.extui %eq3A_55 : vector<64x200xi1> to vector<64x200xi32>
    %convert_element_type3A_57 = arith.sitofp %convert_element_type3A_56 : vector<64x200xi32> to vector<64x200xf32>
    %dot_general3A_58 = arith.constant dense<0.000000e+00> : vector<64x64xf32>
    %dot_general3A_59 = tpu.matmul %convert_element_type3A_57, %convert_element_type3A_53, %dot_general3A_58 {dimension_numbers = #tpu.dot_dimension_numbers<[1], [1], [0], [0], [0, 0, 1, 0], [], []>, transpose_lhs_hint = false} : vector<64x200xf32>, vector<64x200xf32>, vector<64x64xf32> -> vector<64x64xf32>
    %add3A_60 = arith.addf %dot_general3A_59, %select_n3A : vector<64x64xf32>
    %reduce_sum3A_61 = arith.constant dense<0.000000e+00> : vector<64xf32>
    %reduce_sum3A_62 = vector.multi_reduction <add>, %add3A_60, %reduce_sum3A_61 [1] : vector<64x64xf32> to vector<64xf32>
    %broadcast_in_dim3A_63 = vector.shape_cast %reduce_sum3A_62 : vector<64xf32> to vector<64x1xf32>
    %gt3A_64 = arith.constant 0.000000e+00 : f32
    %gt3A_65 = vector.broadcast %gt3A_64 : f32 to vector<64x1xf32>
    %gt3A_66 = arith.cmpf ogt, %broadcast_in_dim3A_63, %gt3A_65 : vector<64x1xf32>
    %rsqrt3A_67 = math.rsqrt %broadcast_in_dim3A_63 : vector<64x1xf32>
    %jit3A_68 = arith.constant 0.000000e+00 : f32
    %broadcast_in_dim3A_69 = vector.broadcast %jit3A_68 : f32 to vector<64x1xf32>
    %select_n3A_70 = arith.select %gt3A_66, %rsqrt3A_67, %broadcast_in_dim3A_69 : vector<64x1xi1>, vector<64x1xf32>
    %dot_general3A_71 = arith.constant dense<0.000000e+00> : vector<64x10xf32>
    %dot_general3A_72 = tpu.matmul %slice3A_2, %get3A_5, %dot_general3A_71 {dimension_numbers = #tpu.dot_dimension_numbers<[1], [0], [0], [1], [0, 0, 1, 1], [], []>, transpose_lhs_hint = false} : vector<64x128xf32>, vector<128x10xf32>, vector<64x10xf32> -> vector<64x10xf32>
    %mul3A_73 = vector.broadcast %select_n3A_70 : vector<64x1xf32> to vector<64x10xf32>
    %mul3A_74 = arith.mulf %mul3A_73, %dot_general3A_72 : vector<64x10xf32>
    %dot_general3A_75 = arith.constant dense<0.000000e+00> : vector<64x10xf32>
    %dot_general3A_76 = tpu.matmul %add3A_60, %mul3A_74, %dot_general3A_75 {dimension_numbers = #tpu.dot_dimension_numbers<[1], [0], [0], [1], [0, 0, 1, 1], [], []>, transpose_lhs_hint = false} : vector<64x64xf32>, vector<64x10xf32>, vector<64x10xf32> -> vector<64x10xf32>
    %mul3A_77 = vector.broadcast %select_n3A_70 : vector<64x1xf32> to vector<64x10xf32>
    %mul3A_78 = arith.mulf %mul3A_77, %dot_general3A_76 : vector<64x10xf32>
    %broadcast_in_dim3A_79 = vector.shape_cast %get3A_7 : vector<10xf32> to vector<1x10xf32>
    %add3A_80 = vector.broadcast %broadcast_in_dim3A_79 : vector<1x10xf32> to vector<64x10xf32>
    %add3A_81 = arith.addf %mul3A_78, %add3A_80 : vector<64x10xf32>
    %slice3A_82 = vector.extract_strided_slice %add3A_81 {offsets = [0, 0], sizes = [50, 10], strides = [1, 1]} : vector<64x10xf32> to vector<50x10xf32>
    %get3A_83 = arith.constant 0 : index
    %get3A_84 = arith.constant 0 : index
    %get3A_85 = vector.load %arg5[%get3A_83, %get3A_84] : memref<128x10xf32, #tpu.memory_space<vmem>>, vector<128x10xf32>
    %dot_general3A_86 = arith.constant dense<0.000000e+00> : vector<64x10xf32>
    %dot_general3A_87 = tpu.matmul %slice3A, %get3A_85, %dot_general3A_86 {dimension_numbers = #tpu.dot_dimension_numbers<[1], [0], [0], [1], [0, 0, 1, 1], [], []>, transpose_lhs_hint = false} : vector<64x128xf32>, vector<128x10xf32>, vector<64x10xf32> -> vector<64x10xf32>
    %slice3A_88 = vector.extract_strided_slice %dot_general3A_87 {offsets = [0, 0], sizes = [50, 10], strides = [1, 1]} : vector<64x10xf32> to vector<50x10xf32>
    %dot_general3A_89 = arith.constant dense<0.000000e+00> : vector<64x10xf32>
    %dot_general3A_90 = tpu.matmul %slice3A_2, %get3A_85, %dot_general3A_89 {dimension_numbers = #tpu.dot_dimension_numbers<[1], [0], [0], [1], [0, 0, 1, 1], [], []>, transpose_lhs_hint = false} : vector<64x128xf32>, vector<128x10xf32>, vector<64x10xf32> -> vector<64x10xf32>
    %slice3A_91 = vector.extract_strided_slice %dot_general3A_90 {offsets = [0, 0], sizes = [50, 10], strides = [1, 1]} : vector<64x10xf32> to vector<50x10xf32>
    %get3A_92 = arith.constant 0 : index
    %get3A_93 = arith.constant 0 : index
    %get3A_94 = vector.load %arg6[%get3A_92, %get3A_93] : memref<50x50xf32, #tpu.memory_space<vmem>>, vector<50x50xf32>
    %dot_general3A_95 = arith.constant dense<0.000000e+00> : vector<50x10xf32>
    %dot_general3A_96 = tpu.matmul %get3A_94, %slice3A_91, %dot_general3A_95 {dimension_numbers = #tpu.dot_dimension_numbers<[1], [0], [0], [1], [0, 0, 1, 1], [], []>, transpose_lhs_hint = false} : vector<50x50xf32>, vector<50x10xf32>, vector<50x10xf32> -> vector<50x10xf32>
    %dot_general3A_97 = arith.constant dense<0.000000e+00> : vector<50x10xf32>
    %dot_general3A_98 = tpu.matmul %get3A_94, %slice3A_88, %dot_general3A_97 {dimension_numbers = #tpu.dot_dimension_numbers<[1], [0], [0], [1], [0, 0, 1, 1], [], []>, transpose_lhs_hint = false} : vector<50x50xf32>, vector<50x10xf32>, vector<50x10xf32> -> vector<50x10xf32>
    %get3A_99 = arith.constant 0 : index
    %get3A_100 = arith.constant 0 : index
    %get3A_101 = vector.load %arg7[%get3A_99, %get3A_100] : memref<50x10xf32, #tpu.memory_space<vmem>>, vector<50x10xf32>
    %get3A_102 = arith.constant 0 : index
    %get3A_103 = arith.constant 0 : index
    %get3A_104 = vector.load %arg8[%get3A_102, %get3A_103] : memref<11x20xf32, #tpu.memory_space<vmem>>, vector<11x20xf32>
    %slice3A_105 = vector.extract_strided_slice %get3A_104 {offsets = [0, 0], sizes = [1, 20], strides = [1, 1]} : vector<11x20xf32> to vector<1x20xf32>
    %slice3A_106 = vector.extract_strided_slice %get3A_104 {offsets = [1, 0], sizes = [10, 20], strides = [1, 1]} : vector<11x20xf32> to vector<10x20xf32>
    %get3A_107 = arith.constant 0 : index
    %get3A_108 = vector.load %arg9[%get3A_107] : memref<20xf32, #tpu.memory_space<vmem>>, vector<20xf32>
    %get3A_109 = arith.constant 0 : index
    %get3A_110 = arith.constant 0 : index
    %get3A_111 = vector.load %arg10[%get3A_109, %get3A_110] : memref<20x20xf32, #tpu.memory_space<vmem>>, vector<20x20xf32>
    %get3A_112 = arith.constant 0 : index
    %get3A_113 = vector.load %arg11[%get3A_112] : memref<20xf32, #tpu.memory_space<vmem>>, vector<20xf32>
    %mul3A_114 = arith.mulf %get3A_101, %slice3A_44 : vector<50x10xf32>
    %mul3A_115 = arith.mulf %get3A_101, %dot_general3A_96 : vector<50x10xf32>
    %mul3A_116 = arith.mulf %mul3A_114, %mul3A_115 : vector<50x10xf32>
    %reduce_sum3A_117 = arith.constant dense<0.000000e+00> : vector<50xf32>
    %reduce_sum3A_118 = vector.multi_reduction <add>, %mul3A_116, %reduce_sum3A_117 [1] : vector<50x10xf32> to vector<50xf32>
    %broadcast_in_dim3A_119 = vector.shape_cast %reduce_sum3A_118 : vector<50xf32> to vector<50x1xf32>
    %mul3A_120 = arith.mulf %mul3A_114, %mul3A_114 : vector<50x10xf32>
    %reduce_sum3A_121 = arith.constant dense<0.000000e+00> : vector<50xf32>
    %reduce_sum3A_122 = vector.multi_reduction <add>, %mul3A_120, %reduce_sum3A_121 [1] : vector<50x10xf32> to vector<50xf32>
    %broadcast_in_dim3A_123 = vector.shape_cast %reduce_sum3A_122 : vector<50xf32> to vector<50x1xf32>
    %sqrt3A = math.sqrt %broadcast_in_dim3A_123 : vector<50x1xf32>
    %mul3A_124 = arith.mulf %mul3A_115, %mul3A_115 : vector<50x10xf32>
    %reduce_sum3A_125 = arith.constant dense<0.000000e+00> : vector<50xf32>
    %reduce_sum3A_126 = vector.multi_reduction <add>, %mul3A_124, %reduce_sum3A_125 [1] : vector<50x10xf32> to vector<50xf32>
    %broadcast_in_dim3A_127 = vector.shape_cast %reduce_sum3A_126 : vector<50xf32> to vector<50x1xf32>
    %sqrt3A_128 = math.sqrt %broadcast_in_dim3A_127 : vector<50x1xf32>
    %max3A = arith.constant 9.99999993E-9 : f32
    %max3A_129 = vector.broadcast %max3A : f32 to vector<50x1xf32>
    %max3A_130 = arith.maximumf %sqrt3A, %max3A_129 : vector<50x1xf32>
    %max3A_131 = arith.constant 9.99999993E-9 : f32
    %max3A_132 = vector.broadcast %max3A_131 : f32 to vector<50x1xf32>
    %max3A_133 = arith.maximumf %sqrt3A_128, %max3A_132 : vector<50x1xf32>
    %mul3A_134 = arith.mulf %max3A_130, %max3A_133 : vector<50x1xf32>
    %div3A = arith.divf %broadcast_in_dim3A_119, %mul3A_134 : vector<50x1xf32>
    %dot_general3A_135 = arith.constant dense<0.000000e+00> : vector<50x20xf32>
    %dot_general3A_136 = tpu.matmul %slice3A_44, %slice3A_106, %dot_general3A_135 {dimension_numbers = #tpu.dot_dimension_numbers<[1], [0], [0], [1], [0, 0, 1, 1], [], []>, transpose_lhs_hint = false} : vector<50x10xf32>, vector<10x20xf32>, vector<50x20xf32> -> vector<50x20xf32>
    %mul3A_137 = vector.broadcast %div3A : vector<50x1xf32> to vector<50x20xf32>
    %mul3A_138 = vector.broadcast %slice3A_105 : vector<1x20xf32> to vector<50x20xf32>
    %mul3A_139 = arith.mulf %mul3A_137, %mul3A_138 : vector<50x20xf32>
    %add3A_140 = arith.addf %dot_general3A_136, %mul3A_139 : vector<50x20xf32>
    %broadcast_in_dim3A_141 = vector.shape_cast %get3A_108 : vector<20xf32> to vector<1x20xf32>
    %add3A_142 = vector.broadcast %broadcast_in_dim3A_141 : vector<1x20xf32> to vector<50x20xf32>
    %add3A_143 = arith.addf %add3A_140, %add3A_142 : vector<50x20xf32>
    %max3A_144 = arith.constant 0.000000e+00 : f32
    %max3A_145 = vector.broadcast %max3A_144 : f32 to vector<50x20xf32>
    %max3A_146 = arith.maximumf %add3A_143, %max3A_145 : vector<50x20xf32>
    %dot_general3A_147 = arith.constant dense<0.000000e+00> : vector<50x20xf32>
    %dot_general3A_148 = tpu.matmul %max3A_146, %get3A_111, %dot_general3A_147 {dimension_numbers = #tpu.dot_dimension_numbers<[1], [0], [0], [1], [0, 0, 1, 1], [], []>, transpose_lhs_hint = false} : vector<50x20xf32>, vector<20x20xf32>, vector<50x20xf32> -> vector<50x20xf32>
    %broadcast_in_dim3A_149 = vector.shape_cast %get3A_113 : vector<20xf32> to vector<1x20xf32>
    %add3A_150 = vector.broadcast %broadcast_in_dim3A_149 : vector<1x20xf32> to vector<50x20xf32>
    %add3A_151 = arith.addf %dot_general3A_148, %add3A_150 : vector<50x20xf32>
    %reduce_max3A = arith.constant dense<0xFF800000> : vector<20xf32>
    %reduce_max3A_152 = vector.multi_reduction <maximumf>, %add3A_151, %reduce_max3A [0] : vector<50x20xf32> to vector<20xf32>
    %broadcast_in_dim3A_153 = vector.shape_cast %reduce_max3A_152 : vector<20xf32> to vector<1x20xf32>
    %mul3A_154 = arith.mulf %get3A_101, %slice3A_82 : vector<50x10xf32>
    %mul3A_155 = arith.mulf %get3A_101, %dot_general3A_98 : vector<50x10xf32>
    %mul3A_156 = arith.mulf %mul3A_154, %mul3A_155 : vector<50x10xf32>
    %reduce_sum3A_157 = arith.constant dense<0.000000e+00> : vector<50xf32>
    %reduce_sum3A_158 = vector.multi_reduction <add>, %mul3A_156, %reduce_sum3A_157 [1] : vector<50x10xf32> to vector<50xf32>
    %broadcast_in_dim3A_159 = vector.shape_cast %reduce_sum3A_158 : vector<50xf32> to vector<50x1xf32>
    %mul3A_160 = arith.mulf %mul3A_154, %mul3A_154 : vector<50x10xf32>
    %reduce_sum3A_161 = arith.constant dense<0.000000e+00> : vector<50xf32>
    %reduce_sum3A_162 = vector.multi_reduction <add>, %mul3A_160, %reduce_sum3A_161 [1] : vector<50x10xf32> to vector<50xf32>
    %broadcast_in_dim3A_163 = vector.shape_cast %reduce_sum3A_162 : vector<50xf32> to vector<50x1xf32>
    %sqrt3A_164 = math.sqrt %broadcast_in_dim3A_163 : vector<50x1xf32>
    %mul3A_165 = arith.mulf %mul3A_155, %mul3A_155 : vector<50x10xf32>
    %reduce_sum3A_166 = arith.constant dense<0.000000e+00> : vector<50xf32>
    %reduce_sum3A_167 = vector.multi_reduction <add>, %mul3A_165, %reduce_sum3A_166 [1] : vector<50x10xf32> to vector<50xf32>
    %broadcast_in_dim3A_168 = vector.shape_cast %reduce_sum3A_167 : vector<50xf32> to vector<50x1xf32>
    %sqrt3A_169 = math.sqrt %broadcast_in_dim3A_168 : vector<50x1xf32>
    %max3A_170 = arith.constant 9.99999993E-9 : f32
    %max3A_171 = vector.broadcast %max3A_170 : f32 to vector<50x1xf32>
    %max3A_172 = arith.maximumf %sqrt3A_164, %max3A_171 : vector<50x1xf32>
    %max3A_173 = arith.constant 9.99999993E-9 : f32
    %max3A_174 = vector.broadcast %max3A_173 : f32 to vector<50x1xf32>
    %max3A_175 = arith.maximumf %sqrt3A_169, %max3A_174 : vector<50x1xf32>
    %mul3A_176 = arith.mulf %max3A_172, %max3A_175 : vector<50x1xf32>
    %div3A_177 = arith.divf %broadcast_in_dim3A_159, %mul3A_176 : vector<50x1xf32>
    %dot_general3A_178 = arith.constant dense<0.000000e+00> : vector<50x20xf32>
    %dot_general3A_179 = tpu.matmul %slice3A_82, %slice3A_106, %dot_general3A_178 {dimension_numbers = #tpu.dot_dimension_numbers<[1], [0], [0], [1], [0, 0, 1, 1], [], []>, transpose_lhs_hint = false} : vector<50x10xf32>, vector<10x20xf32>, vector<50x20xf32> -> vector<50x20xf32>
    %mul3A_180 = vector.broadcast %div3A_177 : vector<50x1xf32> to vector<50x20xf32>
    %mul3A_181 = vector.broadcast %slice3A_105 : vector<1x20xf32> to vector<50x20xf32>
    %mul3A_182 = arith.mulf %mul3A_180, %mul3A_181 : vector<50x20xf32>
    %add3A_183 = arith.addf %dot_general3A_179, %mul3A_182 : vector<50x20xf32>
    %broadcast_in_dim3A_184 = vector.shape_cast %get3A_108 : vector<20xf32> to vector<1x20xf32>
    %add3A_185 = vector.broadcast %broadcast_in_dim3A_184 : vector<1x20xf32> to vector<50x20xf32>
    %add3A_186 = arith.addf %add3A_183, %add3A_185 : vector<50x20xf32>
    %max3A_187 = arith.constant 0.000000e+00 : f32
    %max3A_188 = vector.broadcast %max3A_187 : f32 to vector<50x20xf32>
    %max3A_189 = arith.maximumf %add3A_186, %max3A_188 : vector<50x20xf32>
    %dot_general3A_190 = arith.constant dense<0.000000e+00> : vector<50x20xf32>
    %dot_general3A_191 = tpu.matmul %max3A_189, %get3A_111, %dot_general3A_190 {dimension_numbers = #tpu.dot_dimension_numbers<[1], [0], [0], [1], [0, 0, 1, 1], [], []>, transpose_lhs_hint = false} : vector<50x20xf32>, vector<20x20xf32>, vector<50x20xf32> -> vector<50x20xf32>
    %broadcast_in_dim3A_192 = vector.shape_cast %get3A_113 : vector<20xf32> to vector<1x20xf32>
    %add3A_193 = vector.broadcast %broadcast_in_dim3A_192 : vector<1x20xf32> to vector<50x20xf32>
    %add3A_194 = arith.addf %dot_general3A_191, %add3A_193 : vector<50x20xf32>
    %reduce_max3A_195 = arith.constant dense<0xFF800000> : vector<20xf32>
    %reduce_max3A_196 = vector.multi_reduction <maximumf>, %add3A_194, %reduce_max3A_195 [0] : vector<50x20xf32> to vector<20xf32>
    %broadcast_in_dim3A_197 = vector.shape_cast %reduce_max3A_196 : vector<20xf32> to vector<1x20xf32>
    %get3A_198 = arith.constant 0 : index
    %get3A_199 = arith.constant 0 : index
    %get3A_200 = vector.load %arg12[%get3A_198, %get3A_199] : memref<80x40xf32, #tpu.memory_space<vmem>>, vector<80x40xf32>
    %slice3A_201 = vector.extract_strided_slice %get3A_200 {offsets = [0, 0], sizes = [20, 40], strides = [1, 1]} : vector<80x40xf32> to vector<20x40xf32>
    %dot_general3A_202 = arith.constant dense<0.000000e+00> : vector<1x40xf32>
    %dot_general3A_203 = tpu.matmul %broadcast_in_dim3A_153, %slice3A_201, %dot_general3A_202 {dimension_numbers = #tpu.dot_dimension_numbers<[1], [0], [0], [1], [0, 0, 1, 1], [], []>, transpose_lhs_hint = false} : vector<1x20xf32>, vector<20x40xf32>, vector<1x40xf32> -> vector<1x40xf32>
    %slice3A_204 = vector.extract_strided_slice %get3A_200 {offsets = [20, 0], sizes = [20, 40], strides = [1, 1]} : vector<80x40xf32> to vector<20x40xf32>
    %dot_general3A_205 = arith.constant dense<0.000000e+00> : vector<1x40xf32>
    %dot_general3A_206 = tpu.matmul %broadcast_in_dim3A_197, %slice3A_204, %dot_general3A_205 {dimension_numbers = #tpu.dot_dimension_numbers<[1], [0], [0], [1], [0, 0, 1, 1], [], []>, transpose_lhs_hint = false} : vector<1x20xf32>, vector<20x40xf32>, vector<1x40xf32> -> vector<1x40xf32>
    %add3A_207 = arith.addf %dot_general3A_203, %dot_general3A_206 : vector<1x40xf32>
    %mul3A_208 = arith.mulf %broadcast_in_dim3A_153, %broadcast_in_dim3A_197 : vector<1x20xf32>
    %slice3A_209 = vector.extract_strided_slice %get3A_200 {offsets = [40, 0], sizes = [20, 40], strides = [1, 1]} : vector<80x40xf32> to vector<20x40xf32>
    %dot_general3A_210 = arith.constant dense<0.000000e+00> : vector<1x40xf32>
    %dot_general3A_211 = tpu.matmul %mul3A_208, %slice3A_209, %dot_general3A_210 {dimension_numbers = #tpu.dot_dimension_numbers<[1], [0], [0], [1], [0, 0, 1, 1], [], []>, transpose_lhs_hint = false} : vector<1x20xf32>, vector<20x40xf32>, vector<1x40xf32> -> vector<1x40xf32>
    %add3A_212 = arith.addf %add3A_207, %dot_general3A_211 : vector<1x40xf32>
    %sub3A = arith.subf %broadcast_in_dim3A_153, %broadcast_in_dim3A_197 : vector<1x20xf32>
    %abs3A = math.absf %sub3A : vector<1x20xf32>
    %slice3A_213 = vector.extract_strided_slice %get3A_200 {offsets = [60, 0], sizes = [20, 40], strides = [1, 1]} : vector<80x40xf32> to vector<20x40xf32>
    %dot_general3A_214 = arith.constant dense<0.000000e+00> : vector<1x40xf32>
    %dot_general3A_215 = tpu.matmul %abs3A, %slice3A_213, %dot_general3A_214 {dimension_numbers = #tpu.dot_dimension_numbers<[1], [0], [0], [1], [0, 0, 1, 1], [], []>, transpose_lhs_hint = false} : vector<1x20xf32>, vector<20x40xf32>, vector<1x40xf32> -> vector<1x40xf32>
    %add3A_216 = arith.addf %add3A_212, %dot_general3A_215 : vector<1x40xf32>
    %get3A_217 = arith.constant 0 : index
    %get3A_218 = vector.load %arg13[%get3A_217] : memref<40xf32, #tpu.memory_space<vmem>>, vector<40xf32>
    %broadcast_in_dim3A_219 = vector.shape_cast %get3A_218 : vector<40xf32> to vector<1x40xf32>
    %add3A_220 = arith.addf %add3A_216, %broadcast_in_dim3A_219 : vector<1x40xf32>
    %max3A_221 = arith.constant 0.000000e+00 : f32
    %max3A_222 = vector.broadcast %max3A_221 : f32 to vector<1x40xf32>
    %max3A_223 = arith.maximumf %add3A_220, %max3A_222 : vector<1x40xf32>
    %get3A_224 = arith.constant 0 : index
    %get3A_225 = arith.constant 0 : index
    %get3A_226 = vector.load %arg14[%get3A_224, %get3A_225] : memref<40x1xf32, #tpu.memory_space<vmem>>, vector<40x1xf32>
    %dot_general3A_227 = arith.constant dense<0.000000e+00> : vector<1x1xf32>
    %dot_general3A_228 = tpu.matmul %max3A_223, %get3A_226, %dot_general3A_227 {dimension_numbers = #tpu.dot_dimension_numbers<[1], [0], [0], [1], [0, 0, 1, 1], [], []>, transpose_lhs_hint = false} : vector<1x40xf32>, vector<40x1xf32>, vector<1x1xf32> -> vector<1x1xf32>
    %get3A_229 = arith.constant 0 : index
    %get3A_230 = vector.load %arg15[%get3A_229] : memref<1xf32, #tpu.memory_space<vmem>>, vector<1xf32>
    %broadcast_in_dim3A_231 = vector.shape_cast %get3A_230 : vector<1xf32> to vector<1x1xf32>
    %add3A_232 = arith.addf %dot_general3A_228, %broadcast_in_dim3A_231 : vector<1x1xf32>
    %neg3A = arith.constant 0.000000e+00 : f32
    %neg3A_233 = vector.broadcast %neg3A : f32 to vector<1x1xf32>
    %neg3A_234 = arith.subf %neg3A_233, %add3A_232 : vector<1x1xf32>
    %exp3A = math.exp %neg3A_234 : vector<1x1xf32>
    %add3A_235 = arith.constant 1.000000e+00 : f32
    %add3A_236 = vector.broadcast %add3A_235 : f32 to vector<1x1xf32>
    %add3A_237 = arith.addf %add3A_236, %exp3A : vector<1x1xf32>
    %div3A_238 = arith.constant 1.000000e+00 : f32
    %div3A_239 = vector.broadcast %div3A_238 : f32 to vector<1x1xf32>
    %div3A_240 = arith.divf %div3A_239, %add3A_237 : vector<1x1xf32>
    %swap3A = arith.constant 0 : index
    %swap3A_241 = arith.constant 0 : index
    %swap3A_242 = vector.load %arg16[%swap3A, %swap3A_241] : memref<1x1xf32, #tpu.memory_space<vmem>>, vector<1x1xf32>
    tpu.vector_store %arg16[%swap3A, %swap3A_241], %div3A_240 {strides = array<i32>} : memref<1x1xf32, #tpu.memory_space<vmem>>, vector<1x1xf32>,
    return
  }
}

</mosaic_0001>

<sc_bundles>
// kernel: kernel.4.cloned.1.call-start
scs
__scs_entry_jumppad:
0x0: {  	(pc) =	sbr.rel $0x88, $3  }
0x1: {  	(tag) =	ssettag $0x0;
	lr =	simm.s32 $0x1  }
0x2: {  	[smem:$0x3F8F] =	sst lr;
	_ =	strace $0xD0000000  }
0x3: {  	_ = 	snop  }
0x4: {  	_ = 	snop  }
0x5: {  	_ = 	snop  }
0x6: {  	_ = 	snop  }
0x7: {  	_ = 	snop  }
__scs_overlays_trampoline_lowered:
0x8: {  	[smem:$0x3F9E] =	sst s0  }
0x9: {  	[smem:$0x3F9F] =	sst s1  }
0xa: {  	[smem:$0x3FA0] =	sst s2  }
0xb: {  	[smem:$0x3FA1] =	sst s3  }
0xc: {  	[smem:$0x3FA2] =	sst s4  }
0xd: {  	[smem:$0x3FA3] =	sst s5  }
0xe: {  	[smem:$0x3FA4] =	sst s6  }
0xf: {  	[smem:$0x3FA5] =	sst s7  }
0x10: {  	[smem:$0x3FA6] =	sst s8  }
0x11: {  	[smem:$0x3FA7] =	sst s9;
	s0 =	simm.s32 @!p0 $0x0  }
0x12: {  	s1 =	sld [smem:$0x3F8D];
	s0 =	simm.s32 @p0 $0x1  }
0x13: {  	[smem:$0x3FA8] =	sst s0;
	s0 =	simm.s32 @!p1 $0x0  }
0x14: {  	s2 =	sld [smem:$0x3F8C];
	s0 =	simm.s32 @p1 $0x1  }
0x15: {  	[smem:$0x3FA9] =	sst s0;
	s0 =	simm.s32 @!p2 $0x0  }
0x16: {  	s3 =	sld [smem:$0x3FDB];
	s0 =	simm.s32 @p2 $0x1  }
0x17: {  	s4 =	simm.s32 $0x1BF5;
	[smem:$0x3FAB] =	sst s0  }
0x18: {  	s0 =	sld [smem:$0x3F8E];
	_ =	swait.ge [sflag:s4], $0x0  }
0x19: {  	s7 =	sld [smem:$0x3F8F]  }
0x1a: {  	s8 =	sadd.s32 $0xFFFFE003, lr  }
0x1b: {  	s9 =	sadd.s32 $0xFFFFFEF7, lr;
	s5 =	simm.s32 $0xFFFFFFFF;
	p2 =	slt.u32 s8, $0xFFFFF086  }
0x1c: {  	p1 =	slt.u32 s9, $0xF7A;
	s5 =	simm.s32 @!p2 $0x0  }
0x1d: {  	s5 =	simm.s32 @p1 $0x1;
	p0 =	seq.s32 s7, s2  }
0x1e: {  	s7 =	smul.u32 @!p0 $0xF7A, s2;
	p2 =	seq.s32 @!p0 s5, $0x0  }
0x1f: {  	s9 =	smul.u32 $0xF7A, s1;
	s8 =	simm.s32 @!p0 $0x1BF5;
	p2 =	por !p2, p0  }
0x20: {  	[sflag:s8] =	ssyncset.s32 @!p0 $0xFFFFF086;
	s6 =	sadd.s32 @!p0 s3, s7;
	s7 =	simm.s32 @!p0 $0x108  }
0x21: {  	s3 =	sadd.s32 s3, s9;
	s6 =	sadd.s32 @!p0 $0x88, s6;
	s7 =	simm.s32 @p2 $0x1082  }
0x22: {  	[simem:s7], [sflag:s8] =	dma.local @!p0 [hbm:s6], $0xF7A  }
0x23: {  	s9 =	sor.u32 $0xD0000000, s2;
	s6 =	simm.s32 $0x108;
	_ =	swait.ge @!p0 [sflag:s8], $0x0  }
0x24: {  	s3 =	sadd.s32 $0x88, s3;
	s6 =	simm.s32 @!p1 $0x1082;
	[sflag:s4] =	ssyncset.s32 $0xFFFFF086  }
0x25: {  	[simem:s6], [sflag:s4] =	dma.local [hbm:s3], $0xF7A  }
0x26: {  	[smem:$0x3F8F] =	sst s1;
	(tag) =	ssettag s2;
	_ =	strace s9  }
0x27: {  	s1 =	sld [smem:$0x3F9F]  }
0x28: {  	s2 =	sld [smem:$0x3FA0]  }
0x29: {  	s4 =	sld [smem:$0x3FA2]  }
0x2a: {  	p0 =	seq.s32 s5, $0x0;
	s5 =	sld [smem:$0x3FA3]  }
0x2b: {  	s6 =	sld [smem:$0x3FA4]  }
0x2c: {  	s7 =	sld [smem:$0x3FA5]  }
0x2d: {  	s3 =	simm.s32 $0x108;
	s8 =	sld [smem:$0x3FA6]  }
0x2e: {  	s3 =	simm.s32 @!p0 $0x1082;
	s9 =	sld [smem:$0x3FA7]  }
0x2f: {  	lr =	sadd.s32 s0, s3;
	s0 =	sld [smem:$0x3F9E]  }
0x30: {  	s3 =	sld [smem:$0x3FA1]  }
0x31: {  	[smem:$0x3FAA] =	sst s10  }
0x32: {  	s10 =	sld [smem:$0x3FA8];
	_ =	sdelay $0x3  }
0x33: {  	p0 =	seq.s32 s10, $0x1;
	s10 =	sld [smem:$0x3FAA];
	_ =	sdelay $0x3  }
0x34: {  	[smem:$0x3FAA] =	sst s10  }
0x35: {  	s10 =	sld [smem:$0x3FA9];
	_ =	sdelay $0x3  }
0x36: {  	p1 =	seq.s32 s10, $0x1;
	s10 =	sld [smem:$0x3FAA];
	_ =	sdelay $0x3  }
0x37: {  	[smem:$0x3FAA] =	sst s10  }
0x38: {  	s10 =	sld [smem:$0x3FAB]  }
0x39: {  	_ = 	snop;
	(pc) =	sbr.ind lr, $3  }
0x3a: {  	_ = 	snop  }
0x3b: {  	_ = 	snop  }
0x3c: {  	p2 =	seq.s32 s10, $0x1;
	s10 =	sld [smem:$0x3FAA]  }
0x3d: {  	_ =	shalt  }
0x3e: {  	_ =	shalt  }
0x3f: {  	_ =	shalt  }
0x40: {  	_ =	shalt  }
0x41: {  	_ =	shalt  }
0x42: {  	_ =	shalt  }
0x43: {  	_ =	shalt  }
0x44: {  	_ =	shalt  }
0x45: {  	_ =	shalt  }
0x46: {  	_ =	shalt  }
0x47: {  	_ =	shalt  }
0x48: {  	_ =	shalt  }
0x49: {  	_ =	shalt  }
0x4a: {  	_ =	shalt  }
0x4b: {  	_ =	shalt  }
0x4c: {  	_ =	shalt  }
0x4d: {  	_ =	shalt  }
0x4e: {  	_ =	shalt  }
0x4f: {  	_ =	shalt  }
0x50: {  	_ =	shalt  }
0x51: {  	_ =	shalt  }
0x52: {  	_ =	shalt  }
0x53: {  	_ =	shalt  }
0x54: {  	_ =	shalt  }
0x55: {  	_ =	shalt  }
0x56: {  	_ =	shalt  }
0x57: {  	_ =	shalt  }
0x58: {  	_ =	shalt  }
0x59: {  	_ =	shalt  }
0x5a: {  	_ =	shalt  }
0x5b: {  	_ =	shalt  }
0x5c: {  	_ =	shalt  }
0x5d: {  	_ =	shalt  }
0x5e: {  	_ =	shalt  }
0x5f: {  	_ =	shalt  }
0x60: {  	_ =	shalt  }
0x61: {  	_ =	shalt  }
0x62: {  	_ =	shalt  }
0x63: {  	_ =	shalt  }
0x64: {  	_ =	shalt  }
0x65: {  	_ =	shalt  }
0x66: {  	_ =	shalt  }
0x67: {  	_ =	shalt  }
0x68: {  	_ =	shalt  }
0x69: {  	_ =	shalt  }
0x6a: {  	_ =	shalt  }
0x6b: {  	_ =	shalt  }
0x6c: {  	_ =	shalt  }
0x6d: {  	_ =	shalt  }
0x6e: {  	_ =	shalt  }
0x6f: {  	_ =	shalt  }
0x70: {  	_ =	shalt  }
0x71: {  	_ =	shalt  }
0x72: {  	_ =	shalt  }
0x73: {  	_ =	shalt  }
0x74: {  	_ =	shalt  }
0x75: {  	_ =	shalt  }
0x76: {  	_ =	shalt  }
0x77: {  	_ =	shalt  }
0x78: {  	_ =	shalt  }
0x79: {  	_ =	shalt  }
0x7a: {  	_ =	shalt  }
0x7b: {  	_ =	shalt  }
0x7c: {  	_ =	shalt  }
0x7d: {  	_ =	shalt  }
0x7e: {  	_ =	shalt  }
0x7f: {  	_ =	shalt  }
0x80: {  	_ =	shalt  }
0x81: {  	_ =	shalt  }
0x82: {  	_ =	shalt  }
0x83: {  	_ =	shalt  }
0x84: {  	_ =	shalt  }
0x85: {  	_ =	shalt  }
0x86: {  	_ =	shalt  }
0x87: {  	_ =	shalt  }
.Lfunc_end0:
.L_simem_size_0:
called_computation_lowered:
.L_overlay_start_0:
0x88: {  	s0 =	sld [smem:$0x3FD9]  }
0x89: {  	s1 =	sld [smem:$0x3FFE];
	_ =	sdelay $0x3  }
0x8a: {  	s0 =	sadd.s32 s1, s0  }
0x8b: {  	[smem:$0x3FB6] =	sst s0  }
0x8c: {  	_ = 	snop  }
0x8d: {  	s0 =	sld [smem:$0x3FC9]  }
0x8e: {  	s16 =	sld [smem:$0x3FC8]  }
0x8f: {  	s2 =	sld [smem:$0x3FC5];
	(tm) =	ssettm $0x1  }
0x90: {  	s3 =	sld [smem:$0x3FFB];
	_ =	sdelay $0x3  }
0x91: {  	_ =	strace s3  }
0x92: {  	s3 =	sld [smem:$0x3FFC];
	_ =	sdelay $0x3  }
0x93: {  	_ =	strace s3  }
0x94: {  	s3 =	sld [smem:$0x3FFD];
	_ =	sdelay $0x3  }
0x95: {  	_ =	strace s3  }
0x96: {  	_ =	strace $0x8FFFFFFF  }
0x97: {  	s17 =	sld [smem:$0x3FDB];
	_ =	sdelay $0x1  }
0x98: {  	s4 =	simm.s32 $_scs_section_size  }
0x99: {  	s5 =	simm.s32 $_size__tile_overlayer_lowered;
	s6 =	simm.s32 $_tile_overlayer_lowered  }
0x9a: {  	s20 =	simm.s32 $0x1BFF;
	s19 =	sshll.u32 s6, $0x1;
	s3 =	sadd.s32 s4, s17  }
0x9b: {  	s7 =	simm.s32 $0x0;
	s18 =	sshll.u32 s5, $0x1;
	s5 =	sadd.s32 s19, s3  }
0x9c: {  	[timem:s7], [sflag:s20] =	dma.local [hbm:s5], s18  }
0x9d: {  	_ =	swait.ge [sflag:s20], s18  }
0x9e: {  	s4 =	ssub.s32 $0x0, s18;
	[sflag:s20] =	ssyncset.done $0x0  }
0x9f: {  	[sflag:s20] =	ssyncadd.s32 s4;
	_ =	sdelay $0x1  }
0xa0: {  	s21 =	simm.s32 $0x1B8B  }
0xa1: {  	_ =	swait.ge [sflag:s21], $0x1  }
0xa2: {  	[sflag:s21] =	ssyncset.done $0x0  }
0xa3: {  	s23 =	simm.s32 $0x1B8E;
	s22 =	sld [smem:$0x3FFE];
	[sflag:s21] =	ssyncadd.s32 $0xFFFFFFFF  }
0xa4: {  	s24 =	simm.s32 $execute0_lowered;
	[smem:$0x3FD2] =	sst s23  }
0xa5: {  	s5 =	sshll.u32 s24, $0x1;
	_ =	strace $0x80000046;
	[dreg:$0x1] =	wrdreg $0xFFFFFFFF  }
0xa6: {  	s25 =	simm.s32 $_size_execute0_lowered;
	s3 =	sadd.s32 s3, s5;
	[dreg:$0x0] =	wrdreg $0x0  }
0xa7: {  	s5 =	sshll.u32 s25, $0x1;
	[dreg:$0x2] =	wrdreg s3  }
0xa8: {  	[dreg:$0x3] =	wrdreg s5  }
0xa9: {  	[dreg:$0x4] =	wrdreg $0xC0  }
0xaa: {  	_ =	task [dreg:s7], $0x5FFFF  }
0xab: {  	[dreg:$0x1] =	wrdreg $0xFFFFFFFF  }
0xac: {  	[dreg:$0x0] =	wrdreg $0x60  }
0xad: {  	[dreg:$0x2] =	wrdreg s2  }
0xae: {  	[dreg:$0x3] =	wrdreg s0  }
0xaf: {  	[dreg:$0x4] =	wrdreg s16  }
0xb0: {  	[dreg:$0x5] =	wrdreg s22  }
0xb1: {  	[dreg:$0x6] =	wrdreg $0x9  }
0xb2: {  	_ =	task.clear_ibuf [dreg:s7], $0x7FFFF;
	_ =	strace $0x90000046  }
0xb3: {  	s26 =	simm.s32 $0x9;
	_ =	strace $0x80000048  }
0xb4: {  	_ =	swait.ge [sflag:s26], $0x1  }
0xb5: {  	[sflag:s26] =	ssyncadd.s32 $0xFFFFFFFF  }
0xb6: {  	_ =	strace $0x90000048  }
0xb7: {  	_ =	sfence  }
0xb8: {  	s28 =	sld [smem:$0x0];
	_ =	sdelay $0x1  }
0xb9: {  	s29 =	srdreg.scid  }
0xba: {  	s30 =	sshll.u32 s29, $0xD;
	s31 =	sshrl.u32 s29, $0x2  }
0xbb: {  	s1 =	sand.u32 $0x1, s29;
	s2 =	sand.u32 $0x4000, s30;
	s0 =	sadd.s32 s31, s28  }
0xbc: {  	s1 =	sor.u32 s2, s1;
	s0 =	sshll.u32 s0, $0x11  }
0xbd: {  	s0 =	sor.u32 s0, s1  }
0xbe: {  	s0 =	sadd.s32 $0x8F2B, s0  }
0xbf: {  	[sflag:s0] =	ssyncadd.remote.s32 $0x1  }
0xc0: {  	_ =	sfence.sel $0xFFFF  }
0xc1: {  	[dreg:$0x0] =	wrdreg $0xFFFFFFFF;
	(pc) =	sbr.abs _section_cstart, $3  }
0xc2: {  	[dreg:$0x1] =	wrdreg $0xFFFFFFFF  }
0xc3: {  	_ =	task.clear_ibuf [dreg:s7], $0x2FFFF;
	_ =	strace $0x9FFFFFFF  }
0xc4: {  	(tm) =	ssettm $0x7FFFFFFF  }
0xc5: {  	_ =	shalt  }
tec
execute0_lowered:
.L_overlay_start_1:
0x0: {  	(tag) =	ssettag $0x1  }
0x1: {  	s2 =	rddreg [dreg:$0x0]  }
0x2: {  	s5 =	rddreg [dreg:$0x1]  }
0x3: {  	s3 =	rddreg [dreg:$0x2]  }
0x4: {  	s6 =	rddreg [dreg:$0x3]  }
0x5: {  	s1 =	stileid.u32;
	s0 =	rddreg [dreg:$0x4];
	s4 =	simm.s32 $0x0  }
0x6: {  	p0 =	sgt.u32 s1, $0x6;
	s7 =	sshll.u32 s1, $0x3;
	[smem:$0x7FF] =	sst s4  }
0x7: {  	p1 =	sgt.u32 @p0 s1, $0xD;
	s8 =	smin.u32 s7, $0x60;
	_ =	strace $0x80000047  }
0x8: {  	s7 =	smin.u32 @!p0 s7, $0x28;
	p2 =	por !p1, !p0;
	s8 =	sadd.s32 $0xFFFFFFC8, s8  }
0x9: {  	p1 =	por p1, !p0;
	s9 =	simm.s32 @!p2 $0x0;
	s8 =	sshrl.u32 s8, $0x3  }
0xa: {  	[tilespmem:s9], [sflag:$0x2] =	stream.linear.gather @!p2 [hbm4b:s3+s9], $0x8, $0x38;
	[tilespmem:$0x480] =	vst v63  }
0xb: {  	s7 =	sshrl.u32 @!p0 s7, $0x3;
	s8 =	sadd.s32 s3, s8;
	s9 =	simm.s32 @!p1 $0x0  }
0xc: {  	[tilespmem:s9], [sflag:$0x2] =	stream.linear.gather @!p1 [hbm4b:s8+s9], $0x8, $0x38;
	[tilespmem:$0x480] =	vst v63  }
0xd: {  	s7 =	sadd.s32 @!p0 s5, s7;
	s8 =	simm.s32 @!p0 $0x0  }
0xe: {  	[tilespmem:s8], [sflag:$0x2] =	stream.linear.gather @!p0 [hbm4b:s7+s8], $0x8, $0x38;
	[tilespmem:$0x480] =	vst v63  }
0xf: {  	p0 =	seq.s32 s1, $0x6  }
.Ltmp0:
0x10: {  	_ = 	snop;
	(pc) =	sbr.rel @p0 .LBB2_3-.Ltmp0, $4  }
0x11: {  	s7 =	simm.s32 $0x2  }
0x12: {  	s31 =	sshll.u32 s1, $0x7;
	_ =	swait.ge [sflag:s7], $0x8  }
0x13: {  	s6 =	sadd.s32 s31, s6;
	[sflag:s7] =	ssyncset.done $0x0  }
0x14: {  	s6 =	sadd.s32 $0x2200, s6;
	[sflag:s7] =	ssyncadd.s32 $0xFFFFFFF8  }
0x15: {  	p0 =	sne.s32 s1, $0xD  }
.Ltmp1:
0x16: {  	_ = 	snop;
	(pc) =	sbr.rel @p0 .LBB2_4-.Ltmp1, $1  }
0x17: {  	_ =	sdelay $0x3  }
0x18: {  	s5 =	smov.u32 s3  }
.LBB2_3:
0x19: {  	s3 =	sadd.s32 $0x6, s5  }
0x1a: {  	[tilespmem:s4], [sflag:$0x2] =	stream.linear.gather [hbm4b:s3+s4], $0x2, $0x38;
	[tilespmem:$0x480] =	vst v63  }
0x1b: {  	_ =	swait.ge [sflag:s7], $0x2  }
0x1c: {  	[sflag:s7] =	ssyncset.done $0x0  }
0x1d: {  	[sflag:s7] =	ssyncadd.s32 $0xFFFFFFFE  }
.LBB2_4:
0x1e: {  	s3 =	simm.s32 $0x8  }
0x1f: {  	s4 =	simm.s32 $0x0;
	s5 =	simm.s32 $0x80;
	s30 =	simm.s32 $0x1  }
0x20: {  	[tilespmem:s5], [sflag:$0x1] =	stream.indirect.gather [hbm4b:s2+s3], $0x80, s4, s3, $0xb8;
	[tilespmem:$0x480] =	vst v63  }
0x21: {  	_ =	swait.ge [sflag:s30], $0x400  }
0x22: {  	[sflag:s30] =	ssyncset.done $0x0  }
0x23: {  	s31 =	simm.s32 $0x2;
	[sflag:s30] =	ssyncadd.s32 $0xFFFFFC00  }
0x24: {  	[hbm4b:s6+s4] =	stream.linear.scatter [tilespmem:s5], [sflag:$0x2], $0x400, $0x38;
	[tilespmem:$0x480] =	vst v63  }
0x25: {  	_ =	swait.ge [sflag:s31], $0x400  }
0x26: {  	[sflag:s31] =	ssyncset.done $0x0  }
0x27: {  	[sflag:s31] =	ssyncadd.s32 $0xFFFFFC00  }
0x28: {  	_ =	sfence.sel $0x180000  }
0x29: {  	[bflag:$0x0] =	sbarrier.arrive $0xFFFF  }
0x2a: {  	p0 =	sne.s32 s1, $0x0;
	_ =	strace $0x90000047  }
0x2b: {  	s0 =	sadd.s32 @!p0 $0x100000, s0;
	[bflag:$0x2] =	sbarrier.arrive $0xFFFF  }
0x2c: {  	[sflag:s0] =	ssyncadd.tile.s32 @!p0 $0x1;
	_ =	shalt  }
.Lfunc_end2:
_tile_overlayer_lowered:
.L_overlay_start_2:
0x2d: {  	(tag) =	ssettag $0x2  }
0x2e: {  	s0 =	rddreg [dreg:$0x0];
	s2 =	stileid.u32  }
0x2f: {  	s1 =	rddreg [dreg:$0x1];
	p0 =	sne.s32 s2, $0x0  }
0x30: {  	s3 =	rddreg [dreg:$0x2];
	[bflag:$0x3] =	sbarrier.arrive $0xFFFF;
	s2 =	simm.s32 @!p0 $0x1C02  }
0x31: {  	[timem:s3], [sflag:s2] =	dma.local @!p0 [hbm:s0], s1  }
0x32: {  	s0 =	simm.s32 @!p0 $0x2  }
0x33: {  	_ =	swait.ge @!p0 [sflag:s0], s1  }
0x34: {  	s1 =	ssub.s32 @!p0 $0x0, s1;
	[sflag:s0] =	ssyncset.done @!p0 $0x0  }
0x35: {  	[sflag:s0] =	ssyncadd.s32 @!p0 s1  }
0x36: {  	[bflag:$0x3] =	sbarrier.arrive $0xFFFF  }
0x37: {  	_ =	shalt  }

</sc_bundles>
